<compile_context>
chip_gen: v7x
topology: tpu7x:2x2x1
jax: 0.10.2.dev20260603
libtpu: 0.0.44.dev20260713+nightly
codegen_flags: <defaults>
</compile_context>

<pallas_src>
import functools

import jax
import jax.numpy as jnp
from jax import lax
from jax.experimental import pallas as pl
from jax.experimental.pallas import tpu as pltpu
from jax.experimental.pallas import tpu_sc as plsc

N_NODES = 10000
N_EDGES = 320000
DIM = 128
C = 128
TAIL = 16

NW = 32
E_PER_W = N_EDGES // NW
E_FULL = E_PER_W // C

NODE_BLK = 2000
NODE_VPAD = 32


def _edge_body(edge_idx, edge_table, edge_out,
               idx_e, buf0, buf1, tbuf, etab_sh,
               gsem0, gsem1, ssem0, ssem1, tsem):
    nc = 2
    sid = lax.axis_index("s")
    wid = sid * nc + lax.axis_index("c")

    @pl.when(sid == 0)
    def _():
        pltpu.sync_copy(edge_table, etab_sh)
    plsc.subcore_barrier()

    ebase = wid * E_PER_W
    pltpu.sync_copy(edge_idx.at[pl.ds(ebase, E_PER_W)], idx_e)

    def g(j, buf, sem):
        pltpu.async_copy(etab_sh.at[idx_e.at[pl.ds(j * C, C)]], buf, sem)

    def gwait(buf, sem):
        pltpu.make_async_copy(
            etab_sh.at[idx_e.at[pl.ds(0, C)]], buf, sem).wait()

    def s(j, buf, sem):
        pltpu.async_copy(buf, edge_out.at[pl.ds(ebase + j * C, C)], sem)

    def swait(buf, sem):
        pltpu.make_async_copy(buf, edge_out.at[pl.ds(ebase, C)], sem).wait()

    nloop = E_FULL // 2
    g(0, buf0, gsem0)

    def body(i, _):
        c0 = 2 * i
        gwait(buf0, gsem0)
        s(c0, buf0, ssem0)

        @pl.when(i > 0)
        def _():
            swait(buf1, ssem1)
        g(c0 + 1, buf1, gsem1)
        gwait(buf1, gsem1)
        s(c0 + 1, buf1, ssem1)
        swait(buf0, ssem0)

        @pl.when(i < nloop - 1)
        def _():
            g(c0 + 2, buf0, gsem0)
        return 0

    lax.fori_loop(0, nloop, body, 0)

    pltpu.async_copy(
        etab_sh.at[idx_e.at[pl.ds(E_FULL * C, TAIL)]], tbuf, tsem).wait()
    pltpu.sync_copy(tbuf, edge_out.at[pl.ds(ebase + E_FULL * C, TAIL)])
    swait(buf1, ssem1)


def _node_tc_body(idx_ref, tab_ref, out_ref):
    idx = idx_ref[0, 0, :]
    tab = tab_ref[...]
    idx2d = jnp.broadcast_to(idx[:, None], (NODE_BLK, DIM))
    acc = jnp.zeros((NODE_BLK, DIM), jnp.float32)
    for v in range(21):
        row = jnp.broadcast_to(tab[v][None, :], (NODE_BLK, DIM))
        acc = acc + jnp.where(idx2d == v, row, 0.0)
    out_ref[...] = acc


@jax.jit
def kernel(node_idx, edge_idx, node_table, edge_table):
    mesh = plsc.VectorSubcoreMesh(core_axis_name="c", subcore_axis_name="s")
    edge_fn = functools.partial(
        pl.kernel,
        out_type=jax.ShapeDtypeStruct((N_EDGES, DIM), jnp.float32),
        mesh=mesh,
        scratch_types=[
            pltpu.VMEM((E_PER_W,), jnp.int32),
            pltpu.VMEM((C, DIM), jnp.float32),
            pltpu.VMEM((C, DIM), jnp.float32),
            pltpu.VMEM((TAIL, DIM), jnp.float32),
            pltpu.VMEM_SHARED((4, DIM), jnp.float32),
            pltpu.SemaphoreType.DMA,
            pltpu.SemaphoreType.DMA,
            pltpu.SemaphoreType.DMA,
            pltpu.SemaphoreType.DMA,
            pltpu.SemaphoreType.DMA,
        ],
    )(_edge_body)
    edge_emb = edge_fn(edge_idx, edge_table)

    nb = N_NODES // NODE_BLK
    ntab = jnp.zeros((NODE_VPAD, DIM), jnp.float32).at[:21].set(node_table)
    node_emb = pl.pallas_call(
        _node_tc_body,
        grid=(nb,),
        in_specs=[
            pl.BlockSpec((1, 1, NODE_BLK), lambda i: (i, 0, 0)),
            pl.BlockSpec((NODE_VPAD, DIM), lambda i: (0, 0)),
        ],
        out_specs=pl.BlockSpec((NODE_BLK, DIM), lambda i: (i, 0)),
        out_shape=jax.ShapeDtypeStruct((N_NODES, DIM), jnp.float32),
    )(node_idx.reshape(nb, 1, NODE_BLK), ntab)

    return (node_emb, edge_emb)

# --- scband reference (transcript-rebuilt; emitter-appended) ---
"""Pipeline reference for scband-deep-set-19069654794752 (READ-ONLY COPY).

The authoritative reference and input builder live on the scoring server;
editing this copy changes nothing except your own understanding.
"""

import jax, jax.numpy as jnp
import numpy as np

N_NODES = 10000
N_EDGES = 320000
DIM = 128
NODE_VOCAB = 21
EDGE_VOCAB = 4


def setup_inputs(seed: int = 0) -> dict:
    key = jax.random.key(seed)
    k1, k2, k3, k4 = jax.random.split(key, 4)
    node_idx = jax.random.randint(k1, (N_NODES,), 0, NODE_VOCAB)
    edge_idx = jax.random.randint(k2, (N_EDGES,), 0, EDGE_VOCAB)
    # learned parameters: nn.Embedding(21, dim) and nn.Embedding(4, dim)
    node_table = jax.random.normal(k3, (NODE_VOCAB, DIM), dtype=jnp.float32)
    edge_table = jax.random.normal(k4, (EDGE_VOCAB, DIM), dtype=jnp.float32)
    return {
        "node_idx": node_idx,
        "edge_idx": edge_idx,
        "node_table": node_table,
        "edge_table": edge_table,
    }


def reference(node_idx, edge_idx, node_table, edge_table):
    # DeepSet (non-atom branch): node_emb = nn.Embedding(21, dim)(node_idx),
    # edge_emb = nn.Embedding(4, dim)(edge_idx)
    node_emb = jnp.take(node_table, node_idx, axis=0)
    edge_emb = jnp.take(edge_table, edge_idx, axis=0)
    return (node_emb, edge_emb)

if __name__ == "__main__":
    import jax
    _d = setup_inputs()
    print(jax.jit(kernel)(*tuple(_d.values())))

</pallas_src>

<mosaic_0001>
#map = affine_map<(d0, d1) -> (0)>
#map1 = affine_map<(d0, d1) -> (0, 0)>
module attributes {stable_mosaic.version = 14 : i64} {
  func.func @_edge_body(%arg0: i32, %arg1: i32, %arg2: memref<320000xi32, #tpu.memory_space<hbm>>, %arg3: memref<4x128xf32, #tpu.memory_space<hbm>>, %arg4: memref<320000x128xf32, #tpu.memory_space<hbm>>, %arg5: memref<10000xi32, #tpu.memory_space<vmem>>, %arg6: memref<128x128xf32, #tpu.memory_space<vmem>>, %arg7: memref<128x128xf32, #tpu.memory_space<vmem>>, %arg8: memref<16x128xf32, #tpu.memory_space<vmem>>, %arg9: memref<4x128xf32, #tpu.memory_space<vmem_shared>>, %arg10: memref<!tpu.dma_semaphore, #tpu.memory_space<semaphore_mem>>, %arg11: memref<!tpu.dma_semaphore, #tpu.memory_space<semaphore_mem>>, %arg12: memref<!tpu.dma_semaphore, #tpu.memory_space<semaphore_mem>>, %arg13: memref<!tpu.dma_semaphore, #tpu.memory_space<semaphore_mem>>, %arg14: memref<!tpu.dma_semaphore, #tpu.memory_space<semaphore_mem>>) attributes {dimension_semantics = [#tpu.dimension_semantics<core_parallel>, #tpu.dimension_semantics<subcore_parallel>], iteration_bounds = array<i64: 2, 16>, scalar_prefetch = 0 : i64, scratch_operands = 10 : i64, tpu.core_type = #tpu.core_type<sc_vector_subcore>, window_params = [{transform_indices = #map}, {transform_indices = #map1}, {transform_indices = #map1}]} {
    %mul3A = arith.constant 2 : i32
    %mul3A_0 = arith.muli %arg1, %mul3A : i32
    %add3A = arith.addi %mul3A_0, %arg0 : i32
    %eq3A = arith.constant 0 : i32
    %eq3A_1 = arith.cmpi eq, %arg1, %eq3A : i32
    %convert_element_type3A = arith.extui %eq3A_1 : i1 to i32
    %cond3A = arith.constant 0 : i32
    %cond3A_2 = arith.cmpi ne, %convert_element_type3A, %cond3A : i32
    scf.if %cond3A_2 {
      "tpu.region"() ({
        %run_scoped3A = tpu.sem_alloc : memref<!tpu.dma_semaphore, #tpu.memory_space<semaphore_mem>>
        tpu.enqueue_dma source(%arg3 : memref<4x128xf32, #tpu.memory_space<hbm>>) target(%arg9 : memref<4x128xf32, #tpu.memory_space<vmem_shared>>) target_semaphore(%run_scoped3A : memref<!tpu.dma_semaphore, #tpu.memory_space<semaphore_mem>>)
        tpu.wait_dma2 semaphore(%run_scoped3A : memref<!tpu.dma_semaphore, #tpu.memory_space<semaphore_mem>>) src(%arg3 : memref<4x128xf32, #tpu.memory_space<hbm>>) dst(%arg9 : memref<4x128xf32, #tpu.memory_space<vmem_shared>>)
        tpu.yield
      }) : () -> ()
    } else {
    }
    %barrier3A = arith.constant 0 : index
    tpu.barrier barrier_id(%barrier3A)
    %mul3A_3 = arith.constant 10000 : i32
    %mul3A_4 = arith.muli %add3A, %mul3A_3 : i32
    "tpu.region"() ({
      %run_scoped3A = tpu.sem_alloc : memref<!tpu.dma_semaphore, #tpu.memory_space<semaphore_mem>>
      %dma_start3A_30 = tpu.memref_slice %arg2[%mul3A_4] : memref<320000xi32, #tpu.memory_space<hbm>> -> memref<10000xi32, #tpu.memory_space<hbm>>
      %dma_start3A_31 = tpu.memref_slice %arg2[%mul3A_4] : memref<320000xi32, #tpu.memory_space<hbm>> -> memref<10000xi32, #tpu.memory_space<hbm>>
      tpu.enqueue_dma source(%dma_start3A_31 : memref<10000xi32, #tpu.memory_space<hbm>>) target(%arg5 : memref<10000xi32, #tpu.memory_space<vmem>>) target_semaphore(%run_scoped3A : memref<!tpu.dma_semaphore, #tpu.memory_space<semaphore_mem>>)
      %dma_wait3A_32 = tpu.memref_slice %arg2[%mul3A_4] : memref<320000xi32, #tpu.memory_space<hbm>> -> memref<10000xi32, #tpu.memory_space<hbm>>
      %dma_wait3A_33 = tpu.memref_slice %arg2[%mul3A_4] : memref<320000xi32, #tpu.memory_space<hbm>> -> memref<10000xi32, #tpu.memory_space<hbm>>
      tpu.wait_dma2 semaphore(%run_scoped3A : memref<!tpu.dma_semaphore, #tpu.memory_space<semaphore_mem>>) src(%dma_wait3A_33 : memref<10000xi32, #tpu.memory_space<hbm>>) dst(%arg5 : memref<10000xi32, #tpu.memory_space<vmem>>)
      tpu.yield
    }) : () -> ()
    %dma_start3A = arith.constant 0 : i32
    %dma_start3A_5 = tpu.memref_slice %arg5[%dma_start3A] : memref<10000xi32, #tpu.memory_space<vmem>> -> memref<128xi32, #tpu.memory_space<vmem>>
    %dma_start3A_6 = arith.constant 0 : i32
    %dma_start3A_7 = arith.constant 0 : i32
    %dma_start3A_8 = tpu.memref_slice %arg9[%dma_start3A_6, %dma_start3A_7] : memref<4x128xf32, #tpu.memory_space<vmem_shared>> -> memref<4x128xf32, #tpu.memory_space<vmem_shared>>
    tpu.enqueue_indirect_dma source(%dma_start3A_8 : memref<4x128xf32, #tpu.memory_space<vmem_shared>>) target(%arg6 : memref<128x128xf32, #tpu.memory_space<vmem>>) offsets(%dma_start3A_5 : memref<128xi32, #tpu.memory_space<vmem>>) semaphore(%arg10 : memref<!tpu.dma_semaphore, #tpu.memory_space<semaphore_mem>>)
    %scan3A = arith.constant 0 : i32
    %scan3A_9 = arith.constant 0 : i32
    %scan3A_10 = arith.constant 39 : i32
    %scan3A_11 = arith.addi %scan3A_9, %scan3A_10 : i32
    %scan3A_12 = arith.constant 1 : i32
    %scan3A_13 = scf.for %scan3A_30 = %scan3A_9 to %scan3A_11 step %scan3A_12 iter_args(%scan3A_31 = %scan3A) -> (i32)  : i32 {
      %mul3A_32 = arith.constant 2 : i32
      %mul3A_33 = arith.muli %mul3A_32, %scan3A_30 : i32
      %dma_wait3A_34 = arith.constant 0 : i32
      %dma_wait3A_35 = tpu.memref_slice %arg5[%dma_wait3A_34] : memref<10000xi32, #tpu.memory_space<vmem>> -> memref<128xi32, #tpu.memory_space<vmem>>
      %dma_wait3A_36 = arith.constant 0 : i32
      %dma_wait3A_37 = arith.constant 0 : i32
      %dma_wait3A_38 = tpu.memref_slice %arg9[%dma_wait3A_36, %dma_wait3A_37] : memref<4x128xf32, #tpu.memory_space<vmem_shared>> -> memref<4x128xf32, #tpu.memory_space<vmem_shared>>
      tpu.wait_indirect_dma semaphore(%arg10 : memref<!tpu.dma_semaphore, #tpu.memory_space<semaphore_mem>>) src(%dma_wait3A_38 : memref<4x128xf32, #tpu.memory_space<vmem_shared>>) dst(%arg6 : memref<128x128xf32, #tpu.memory_space<vmem>>)
      %mul3A_39 = arith.constant 128 : i32
      %mul3A_40 = arith.muli %mul3A_33, %mul3A_39 : i32
      %add3A_41 = arith.addi %mul3A_4, %mul3A_40 : i32
      %dma_start3A_42 = arith.constant 0 : i32
      %dma_start3A_43 = tpu.memref_slice %arg4[%add3A_41, %dma_start3A_42] : memref<320000x128xf32, #tpu.memory_space<hbm>> -> memref<128x128xf32, #tpu.memory_space<hbm>>
      %dma_start3A_44 = arith.constant 0 : i32
      %dma_start3A_45 = tpu.memref_slice %arg4[%add3A_41, %dma_start3A_44] : memref<320000x128xf32, #tpu.memory_space<hbm>> -> memref<128x128xf32, #tpu.memory_space<hbm>>
      tpu.enqueue_dma source(%arg6 : memref<128x128xf32, #tpu.memory_space<vmem>>) target(%dma_start3A_45 : memref<128x128xf32, #tpu.memory_space<hbm>>) target_semaphore(%arg12 : memref<!tpu.dma_semaphore, #tpu.memory_space<semaphore_mem>>)
      %gt3A = arith.constant 0 : i32
      %gt3A_46 = arith.cmpi sgt, %scan3A_30, %gt3A : i32
      %convert_element_type3A_47 = arith.extui %gt3A_46 : i1 to i32
      %cond3A_48 = arith.constant 0 : i32
      %cond3A_49 = arith.cmpi ne, %convert_element_type3A_47, %cond3A_48 : i32
      scf.if %cond3A_49 {
        %dma_wait3A_81 = arith.constant 0 : i32
        %dma_wait3A_82 = tpu.memref_slice %arg4[%mul3A_4, %dma_wait3A_81] : memref<320000x128xf32, #tpu.memory_space<hbm>> -> memref<128x128xf32, #tpu.memory_space<hbm>>
        %dma_wait3A_83 = arith.constant 0 : i32
        %dma_wait3A_84 = tpu.memref_slice %arg4[%mul3A_4, %dma_wait3A_83] : memref<320000x128xf32, #tpu.memory_space<hbm>> -> memref<128x128xf32, #tpu.memory_space<hbm>>
        tpu.wait_dma2 semaphore(%arg13 : memref<!tpu.dma_semaphore, #tpu.memory_space<semaphore_mem>>) src(%arg7 : memref<128x128xf32, #tpu.memory_space<vmem>>) dst(%dma_wait3A_84 : memref<128x128xf32, #tpu.memory_space<hbm>>)
      } else {
      }
      %add3A_50 = arith.constant 1 : i32
      %add3A_51 = arith.addi %mul3A_33, %add3A_50 : i32
      %mul3A_52 = arith.constant 128 : i32
      %mul3A_53 = arith.muli %add3A_51, %mul3A_52 : i32
      %dma_start3A_54 = tpu.memref_slice %arg5[%mul3A_53] : memref<10000xi32, #tpu.memory_space<vmem>> -> memref<128xi32, #tpu.memory_space<vmem>>
      %dma_start3A_55 = arith.constant 0 : i32
      %dma_start3A_56 = arith.constant 0 : i32
      %dma_start3A_57 = tpu.memref_slice %arg9[%dma_start3A_55, %dma_start3A_56] : memref<4x128xf32, #tpu.memory_space<vmem_shared>> -> memref<4x128xf32, #tpu.memory_space<vmem_shared>>
      tpu.enqueue_indirect_dma source(%dma_start3A_57 : memref<4x128xf32, #tpu.memory_space<vmem_shared>>) target(%arg7 : memref<128x128xf32, #tpu.memory_space<vmem>>) offsets(%dma_start3A_54 : memref<128xi32, #tpu.memory_space<vmem>>) semaphore(%arg11 : memref<!tpu.dma_semaphore, #tpu.memory_space<semaphore_mem>>)
      %dma_wait3A_58 = arith.constant 0 : i32
      %dma_wait3A_59 = tpu.memref_slice %arg5[%dma_wait3A_58] : memref<10000xi32, #tpu.memory_space<vmem>> -> memref<128xi32, #tpu.memory_space<vmem>>
      %dma_wait3A_60 = arith.constant 0 : i32
      %dma_wait3A_61 = arith.constant 0 : i32
      %dma_wait3A_62 = tpu.memref_slice %arg9[%dma_wait3A_60, %dma_wait3A_61] : memref<4x128xf32, #tpu.memory_space<vmem_shared>> -> memref<4x128xf32, #tpu.memory_space<vmem_shared>>
      tpu.wait_indirect_dma semaphore(%arg11 : memref<!tpu.dma_semaphore, #tpu.memory_space<semaphore_mem>>) src(%dma_wait3A_62 : memref<4x128xf32, #tpu.memory_space<vmem_shared>>) dst(%arg7 : memref<128x128xf32, #tpu.memory_space<vmem>>)
      %add3A_63 = arith.constant 1 : i32
      %add3A_64 = arith.addi %mul3A_33, %add3A_63 : i32
      %mul3A_65 = arith.constant 128 : i32
      %mul3A_66 = arith.muli %add3A_64, %mul3A_65 : i32
      %add3A_67 = arith.addi %mul3A_4, %mul3A_66 : i32
      %dma_start3A_68 = arith.constant 0 : i32
      %dma_start3A_69 = tpu.memref_slice %arg4[%add3A_67, %dma_start3A_68] : memref<320000x128xf32, #tpu.memory_space<hbm>> -> memref<128x128xf32, #tpu.memory_space<hbm>>
      %dma_start3A_70 = arith.constant 0 : i32
      %dma_start3A_71 = tpu.memref_slice %arg4[%add3A_67, %dma_start3A_70] : memref<320000x128xf32, #tpu.memory_space<hbm>> -> memref<128x128xf32, #tpu.memory_space<hbm>>
      tpu.enqueue_dma source(%arg7 : memref<128x128xf32, #tpu.memory_space<vmem>>) target(%dma_start3A_71 : memref<128x128xf32, #tpu.memory_space<hbm>>) target_semaphore(%arg13 : memref<!tpu.dma_semaphore, #tpu.memory_space<semaphore_mem>>)
      %dma_wait3A_72 = arith.constant 0 : i32
      %dma_wait3A_73 = tpu.memref_slice %arg4[%mul3A_4, %dma_wait3A_72] : memref<320000x128xf32, #tpu.memory_space<hbm>> -> memref<128x128xf32, #tpu.memory_space<hbm>>
      %dma_wait3A_74 = arith.constant 0 : i32
      %dma_wait3A_75 = tpu.memref_slice %arg4[%mul3A_4, %dma_wait3A_74] : memref<320000x128xf32, #tpu.memory_space<hbm>> -> memref<128x128xf32, #tpu.memory_space<hbm>>
      tpu.wait_dma2 semaphore(%arg12 : memref<!tpu.dma_semaphore, #tpu.memory_space<semaphore_mem>>) src(%arg6 : memref<128x128xf32, #tpu.memory_space<vmem>>) dst(%dma_wait3A_75 : memref<128x128xf32, #tpu.memory_space<hbm>>)
      %lt3A = arith.constant 38 : i32
      %lt3A_76 = arith.cmpi slt, %scan3A_30, %lt3A : i32
      %convert_element_type3A_77 = arith.extui %lt3A_76 : i1 to i32
      %cond3A_78 = arith.constant 0 : i32
      %cond3A_79 = arith.cmpi ne, %convert_element_type3A_77, %cond3A_78 : i32
      scf.if %cond3A_79 {
        %add3A_81 = arith.constant 2 : i32
        %add3A_82 = arith.addi %mul3A_33, %add3A_81 : i32
        %mul3A_83 = arith.constant 128 : i32
        %mul3A_84 = arith.muli %add3A_82, %mul3A_83 : i32
        %dma_start3A_85 = tpu.memref_slice %arg5[%mul3A_84] : memref<10000xi32, #tpu.memory_space<vmem>> -> memref<128xi32, #tpu.memory_space<vmem>>
        %dma_start3A_86 = arith.constant 0 : i32
        %dma_start3A_87 = arith.constant 0 : i32
        %dma_start3A_88 = tpu.memref_slice %arg9[%dma_start3A_86, %dma_start3A_87] : memref<4x128xf32, #tpu.memory_space<vmem_shared>> -> memref<4x128xf32, #tpu.memory_space<vmem_shared>>
        tpu.enqueue_indirect_dma source(%dma_start3A_88 : memref<4x128xf32, #tpu.memory_space<vmem_shared>>) target(%arg6 : memref<128x128xf32, #tpu.memory_space<vmem>>) offsets(%dma_start3A_85 : memref<128xi32, #tpu.memory_space<vmem>>) semaphore(%arg10 : memref<!tpu.dma_semaphore, #tpu.memory_space<semaphore_mem>>)
      } else {
      }
      %scan3A_80 = arith.constant 0 : i32
      scf.yield %scan3A_80 : i32
    }
    %scan3A_14 = arith.constant 39 : i32
    %dma_start3A_15 = arith.constant 9984 : i32
    %dma_start3A_16 = tpu.memref_slice %arg5[%dma_start3A_15] : memref<10000xi32, #tpu.memory_space<vmem>> -> memref<16xi32, #tpu.memory_space<vmem>>
    %dma_start3A_17 = arith.constant 0 : i32
    %dma_start3A_18 = arith.constant 0 : i32
    %dma_start3A_19 = tpu.memref_slice %arg9[%dma_start3A_17, %dma_start3A_18] : memref<4x128xf32, #tpu.memory_space<vmem_shared>> -> memref<4x128xf32, #tpu.memory_space<vmem_shared>>
    tpu.enqueue_indirect_dma source(%dma_start3A_19 : memref<4x128xf32, #tpu.memory_space<vmem_shared>>) target(%arg8 : memref<16x128xf32, #tpu.memory_space<vmem>>) offsets(%dma_start3A_16 : memref<16xi32, #tpu.memory_space<vmem>>) semaphore(%arg14 : memref<!tpu.dma_semaphore, #tpu.memory_space<semaphore_mem>>)
    %dma_wait3A = arith.constant 9984 : i32
    %dma_wait3A_20 = tpu.memref_slice %arg5[%dma_wait3A] : memref<10000xi32, #tpu.memory_space<vmem>> -> memref<16xi32, #tpu.memory_space<vmem>>
    %dma_wait3A_21 = arith.constant 0 : i32
    %dma_wait3A_22 = arith.constant 0 : i32
    %dma_wait3A_23 = tpu.memref_slice %arg9[%dma_wait3A_21, %dma_wait3A_22] : memref<4x128xf32, #tpu.memory_space<vmem_shared>> -> memref<4x128xf32, #tpu.memory_space<vmem_shared>>
    tpu.wait_indirect_dma semaphore(%arg14 : memref<!tpu.dma_semaphore, #tpu.memory_space<semaphore_mem>>) src(%dma_wait3A_23 : memref<4x128xf32, #tpu.memory_space<vmem_shared>>) dst(%arg8 : memref<16x128xf32, #tpu.memory_space<vmem>>)
    %add3A_24 = arith.constant 9984 : i32
    %add3A_25 = arith.addi %mul3A_4, %add3A_24 : i32
    "tpu.region"() ({
      %run_scoped3A = tpu.sem_alloc : memref<!tpu.dma_semaphore, #tpu.memory_space<semaphore_mem>>
      %dma_start3A_30 = arith.constant 0 : i32
      %dma_start3A_31 = tpu.memref_slice %arg4[%add3A_25, %dma_start3A_30] : memref<320000x128xf32, #tpu.memory_space<hbm>> -> memref<16x128xf32, #tpu.memory_space<hbm>>
      %dma_start3A_32 = arith.constant 0 : i32
      %dma_start3A_33 = tpu.memref_slice %arg4[%add3A_25, %dma_start3A_32] : memref<320000x128xf32, #tpu.memory_space<hbm>> -> memref<16x128xf32, #tpu.memory_space<hbm>>
      tpu.enqueue_dma source(%arg8 : memref<16x128xf32, #tpu.memory_space<vmem>>) target(%dma_start3A_33 : memref<16x128xf32, #tpu.memory_space<hbm>>) target_semaphore(%run_scoped3A : memref<!tpu.dma_semaphore, #tpu.memory_space<semaphore_mem>>)
      %dma_wait3A_34 = arith.constant 0 : i32
      %dma_wait3A_35 = tpu.memref_slice %arg4[%add3A_25, %dma_wait3A_34] : memref<320000x128xf32, #tpu.memory_space<hbm>> -> memref<16x128xf32, #tpu.memory_space<hbm>>
      %dma_wait3A_36 = arith.constant 0 : i32
      %dma_wait3A_37 = tpu.memref_slice %arg4[%add3A_25, %dma_wait3A_36] : memref<320000x128xf32, #tpu.memory_space<hbm>> -> memref<16x128xf32, #tpu.memory_space<hbm>>
      tpu.wait_dma2 semaphore(%run_scoped3A : memref<!tpu.dma_semaphore, #tpu.memory_space<semaphore_mem>>) src(%arg8 : memref<16x128xf32, #tpu.memory_space<vmem>>) dst(%dma_wait3A_37 : memref<16x128xf32, #tpu.memory_space<hbm>>)
      tpu.yield
    }) : () -> ()
    %dma_wait3A_26 = arith.constant 0 : i32
    %dma_wait3A_27 = tpu.memref_slice %arg4[%mul3A_4, %dma_wait3A_26] : memref<320000x128xf32, #tpu.memory_space<hbm>> -> memref<128x128xf32, #tpu.memory_space<hbm>>
    %dma_wait3A_28 = arith.constant 0 : i32
    %dma_wait3A_29 = tpu.memref_slice %arg4[%mul3A_4, %dma_wait3A_28] : memref<320000x128xf32, #tpu.memory_space<hbm>> -> memref<128x128xf32, #tpu.memory_space<hbm>>
    tpu.wait_dma2 semaphore(%arg13 : memref<!tpu.dma_semaphore, #tpu.memory_space<semaphore_mem>>) src(%arg7 : memref<128x128xf32, #tpu.memory_space<vmem>>) dst(%dma_wait3A_29 : memref<128x128xf32, #tpu.memory_space<hbm>>)
    return
  }
}

module attributes {stable_mosaic.version = 14 : i64} {
  func.func @_node_tc_body(%arg0: i32, %arg1: memref<1x1x2000xi32, #tpu.memory_space<vmem>>, %arg2: memref<32x128xf32, #tpu.memory_space<vmem>>, %arg3: memref<2000x128xf32, #tpu.memory_space<vmem>>) attributes {dimension_semantics = [#tpu.dimension_semantics<arbitrary>], iteration_bounds = array<i64: 5>, scalar_prefetch = 0 : i64, scratch_operands = 0 : i64, tpu.core_type = #tpu.core_type<tc>, window_params = [{transform_indices = @transform_0, window_bounds = array<i64: 1, 1, 2000>}, {pipeline_mode = #tpu.pipeline_mode<synchronous>, transform_indices = @transform_1, window_bounds = array<i64: 32, 128>}, {transform_indices = @transform_2, window_bounds = array<i64: 2000, 128>}]} {
    %get3A = arith.constant 0 : index
    %get3A_0 = arith.constant 0 : index
    %get3A_1 = arith.constant 0 : index
    %get3A_2 = vector.load %arg1[%get3A, %get3A_0, %get3A_1] : memref<1x1x2000xi32, #tpu.memory_space<vmem>>, vector<1x1x2000xi32>
    %get3A_3 = vector.shape_cast %get3A_2 : vector<1x1x2000xi32> to vector<2000xi32>
    %get3A_4 = arith.constant 0 : index
    %get3A_5 = arith.constant 0 : index
    %get3A_6 = vector.load %arg2[%get3A_4, %get3A_5] : memref<32x128xf32, #tpu.memory_space<vmem>>, vector<32x128xf32>
    %broadcast_in_dim3A = vector.shape_cast %get3A_3 : vector<2000xi32> to vector<2000x1xi32>
    %broadcast_in_dim3A_7 = vector.shape_cast %broadcast_in_dim3A : vector<2000x1xi32> to vector<2000x1xi32>
    %broadcast_in_dim3A_8 = vector.broadcast %broadcast_in_dim3A_7 : vector<2000x1xi32> to vector<2000x128xi32>
    %broadcast_in_dim3A_9 = arith.constant 0.000000e+00 : f32
    %broadcast_in_dim3A_10 = vector.broadcast %broadcast_in_dim3A_9 : f32 to vector<2000x128xf32>
    %slice3A = vector.extract_strided_slice %get3A_6 {offsets = [0, 0], sizes = [1, 128], strides = [1, 1]} : vector<32x128xf32> to vector<1x128xf32>
    %squeeze3A = vector.shape_cast %slice3A : vector<1x128xf32> to vector<128xf32>
    %broadcast_in_dim3A_11 = vector.shape_cast %squeeze3A : vector<128xf32> to vector<1x128xf32>
    %broadcast_in_dim3A_12 = vector.shape_cast %broadcast_in_dim3A_11 : vector<1x128xf32> to vector<1x128xf32>
    %broadcast_in_dim3A_13 = vector.broadcast %broadcast_in_dim3A_12 : vector<1x128xf32> to vector<2000x128xf32>
    %eq3A = arith.constant 0 : i32
    %eq3A_14 = vector.broadcast %eq3A : i32 to vector<2000x128xi32>
    %eq3A_15 = arith.cmpi eq, %broadcast_in_dim3A_8, %eq3A_14 : vector<2000x128xi32>
    %jit3A = arith.constant 0.000000e+00 : f32
    %broadcast_in_dim3A_16 = vector.broadcast %jit3A : f32 to vector<2000x128xf32>
    %select_n3A = arith.select %eq3A_15, %broadcast_in_dim3A_13, %broadcast_in_dim3A_16 : vector<2000x128xi1>, vector<2000x128xf32>
    %add3A = arith.addf %broadcast_in_dim3A_10, %select_n3A : vector<2000x128xf32>
    %slice3A_17 = vector.extract_strided_slice %get3A_6 {offsets = [1, 0], sizes = [1, 128], strides = [1, 1]} : vector<32x128xf32> to vector<1x128xf32>
    %squeeze3A_18 = vector.shape_cast %slice3A_17 : vector<1x128xf32> to vector<128xf32>
    %broadcast_in_dim3A_19 = vector.shape_cast %squeeze3A_18 : vector<128xf32> to vector<1x128xf32>
    %broadcast_in_dim3A_20 = vector.shape_cast %broadcast_in_dim3A_19 : vector<1x128xf32> to vector<1x128xf32>
    %broadcast_in_dim3A_21 = vector.broadcast %broadcast_in_dim3A_20 : vector<1x128xf32> to vector<2000x128xf32>
    %eq3A_22 = arith.constant 1 : i32
    %eq3A_23 = vector.broadcast %eq3A_22 : i32 to vector<2000x128xi32>
    %eq3A_24 = arith.cmpi eq, %broadcast_in_dim3A_8, %eq3A_23 : vector<2000x128xi32>
    %jit3A_25 = arith.constant 0.000000e+00 : f32
    %broadcast_in_dim3A_26 = vector.broadcast %jit3A_25 : f32 to vector<2000x128xf32>
    %select_n3A_27 = arith.select %eq3A_24, %broadcast_in_dim3A_21, %broadcast_in_dim3A_26 : vector<2000x128xi1>, vector<2000x128xf32>
    %add3A_28 = arith.addf %add3A, %select_n3A_27 : vector<2000x128xf32>
    %slice3A_29 = vector.extract_strided_slice %get3A_6 {offsets = [2, 0], sizes = [1, 128], strides = [1, 1]} : vector<32x128xf32> to vector<1x128xf32>
    %squeeze3A_30 = vector.shape_cast %slice3A_29 : vector<1x128xf32> to vector<128xf32>
    %broadcast_in_dim3A_31 = vector.shape_cast %squeeze3A_30 : vector<128xf32> to vector<1x128xf32>
    %broadcast_in_dim3A_32 = vector.shape_cast %broadcast_in_dim3A_31 : vector<1x128xf32> to vector<1x128xf32>
    %broadcast_in_dim3A_33 = vector.broadcast %broadcast_in_dim3A_32 : vector<1x128xf32> to vector<2000x128xf32>
    %eq3A_34 = arith.constant 2 : i32
    %eq3A_35 = vector.broadcast %eq3A_34 : i32 to vector<2000x128xi32>
    %eq3A_36 = arith.cmpi eq, %broadcast_in_dim3A_8, %eq3A_35 : vector<2000x128xi32>
    %jit3A_37 = arith.constant 0.000000e+00 : f32
    %broadcast_in_dim3A_38 = vector.broadcast %jit3A_37 : f32 to vector<2000x128xf32>
    %select_n3A_39 = arith.select %eq3A_36, %broadcast_in_dim3A_33, %broadcast_in_dim3A_38 : vector<2000x128xi1>, vector<2000x128xf32>
    %add3A_40 = arith.addf %add3A_28, %select_n3A_39 : vector<2000x128xf32>
    %slice3A_41 = vector.extract_strided_slice %get3A_6 {offsets = [3, 0], sizes = [1, 128], strides = [1, 1]} : vector<32x128xf32> to vector<1x128xf32>
    %squeeze3A_42 = vector.shape_cast %slice3A_41 : vector<1x128xf32> to vector<128xf32>
    %broadcast_in_dim3A_43 = vector.shape_cast %squeeze3A_42 : vector<128xf32> to vector<1x128xf32>
    %broadcast_in_dim3A_44 = vector.shape_cast %broadcast_in_dim3A_43 : vector<1x128xf32> to vector<1x128xf32>
    %broadcast_in_dim3A_45 = vector.broadcast %broadcast_in_dim3A_44 : vector<1x128xf32> to vector<2000x128xf32>
    %eq3A_46 = arith.constant 3 : i32
    %eq3A_47 = vector.broadcast %eq3A_46 : i32 to vector<2000x128xi32>
    %eq3A_48 = arith.cmpi eq, %broadcast_in_dim3A_8, %eq3A_47 : vector<2000x128xi32>
    %jit3A_49 = arith.constant 0.000000e+00 : f32
    %broadcast_in_dim3A_50 = vector.broadcast %jit3A_49 : f32 to vector<2000x128xf32>
    %select_n3A_51 = arith.select %eq3A_48, %broadcast_in_dim3A_45, %broadcast_in_dim3A_50 : vector<2000x128xi1>, vector<2000x128xf32>
    %add3A_52 = arith.addf %add3A_40, %select_n3A_51 : vector<2000x128xf32>
    %slice3A_53 = vector.extract_strided_slice %get3A_6 {offsets = [4, 0], sizes = [1, 128], strides = [1, 1]} : vector<32x128xf32> to vector<1x128xf32>
    %squeeze3A_54 = vector.shape_cast %slice3A_53 : vector<1x128xf32> to vector<128xf32>
    %broadcast_in_dim3A_55 = vector.shape_cast %squeeze3A_54 : vector<128xf32> to vector<1x128xf32>
    %broadcast_in_dim3A_56 = vector.shape_cast %broadcast_in_dim3A_55 : vector<1x128xf32> to vector<1x128xf32>
    %broadcast_in_dim3A_57 = vector.broadcast %broadcast_in_dim3A_56 : vector<1x128xf32> to vector<2000x128xf32>
    %eq3A_58 = arith.constant 4 : i32
    %eq3A_59 = vector.broadcast %eq3A_58 : i32 to vector<2000x128xi32>
    %eq3A_60 = arith.cmpi eq, %broadcast_in_dim3A_8, %eq3A_59 : vector<2000x128xi32>
    %jit3A_61 = arith.constant 0.000000e+00 : f32
    %broadcast_in_dim3A_62 = vector.broadcast %jit3A_61 : f32 to vector<2000x128xf32>
    %select_n3A_63 = arith.select %eq3A_60, %broadcast_in_dim3A_57, %broadcast_in_dim3A_62 : vector<2000x128xi1>, vector<2000x128xf32>
    %add3A_64 = arith.addf %add3A_52, %select_n3A_63 : vector<2000x128xf32>
    %slice3A_65 = vector.extract_strided_slice %get3A_6 {offsets = [5, 0], sizes = [1, 128], strides = [1, 1]} : vector<32x128xf32> to vector<1x128xf32>
    %squeeze3A_66 = vector.shape_cast %slice3A_65 : vector<1x128xf32> to vector<128xf32>
    %broadcast_in_dim3A_67 = vector.shape_cast %squeeze3A_66 : vector<128xf32> to vector<1x128xf32>
    %broadcast_in_dim3A_68 = vector.shape_cast %broadcast_in_dim3A_67 : vector<1x128xf32> to vector<1x128xf32>
    %broadcast_in_dim3A_69 = vector.broadcast %broadcast_in_dim3A_68 : vector<1x128xf32> to vector<2000x128xf32>
    %eq3A_70 = arith.constant 5 : i32
    %eq3A_71 = vector.broadcast %eq3A_70 : i32 to vector<2000x128xi32>
    %eq3A_72 = arith.cmpi eq, %broadcast_in_dim3A_8, %eq3A_71 : vector<2000x128xi32>
    %jit3A_73 = arith.constant 0.000000e+00 : f32
    %broadcast_in_dim3A_74 = vector.broadcast %jit3A_73 : f32 to vector<2000x128xf32>
    %select_n3A_75 = arith.select %eq3A_72, %broadcast_in_dim3A_69, %broadcast_in_dim3A_74 : vector<2000x128xi1>, vector<2000x128xf32>
    %add3A_76 = arith.addf %add3A_64, %select_n3A_75 : vector<2000x128xf32>
    %slice3A_77 = vector.extract_strided_slice %get3A_6 {offsets = [6, 0], sizes = [1, 128], strides = [1, 1]} : vector<32x128xf32> to vector<1x128xf32>
    %squeeze3A_78 = vector.shape_cast %slice3A_77 : vector<1x128xf32> to vector<128xf32>
    %broadcast_in_dim3A_79 = vector.shape_cast %squeeze3A_78 : vector<128xf32> to vector<1x128xf32>
    %broadcast_in_dim3A_80 = vector.shape_cast %broadcast_in_dim3A_79 : vector<1x128xf32> to vector<1x128xf32>
    %broadcast_in_dim3A_81 = vector.broadcast %broadcast_in_dim3A_80 : vector<1x128xf32> to vector<2000x128xf32>
    %eq3A_82 = arith.constant 6 : i32
    %eq3A_83 = vector.broadcast %eq3A_82 : i32 to vector<2000x128xi32>
    %eq3A_84 = arith.cmpi eq, %broadcast_in_dim3A_8, %eq3A_83 : vector<2000x128xi32>
    %jit3A_85 = arith.constant 0.000000e+00 : f32
    %broadcast_in_dim3A_86 = vector.broadcast %jit3A_85 : f32 to vector<2000x128xf32>
    %select_n3A_87 = arith.select %eq3A_84, %broadcast_in_dim3A_81, %broadcast_in_dim3A_86 : vector<2000x128xi1>, vector<2000x128xf32>
    %add3A_88 = arith.addf %add3A_76, %select_n3A_87 : vector<2000x128xf32>
    %slice3A_89 = vector.extract_strided_slice %get3A_6 {offsets = [7, 0], sizes = [1, 128], strides = [1, 1]} : vector<32x128xf32> to vector<1x128xf32>
    %squeeze3A_90 = vector.shape_cast %slice3A_89 : vector<1x128xf32> to vector<128xf32>
    %broadcast_in_dim3A_91 = vector.shape_cast %squeeze3A_90 : vector<128xf32> to vector<1x128xf32>
    %broadcast_in_dim3A_92 = vector.shape_cast %broadcast_in_dim3A_91 : vector<1x128xf32> to vector<1x128xf32>
    %broadcast_in_dim3A_93 = vector.broadcast %broadcast_in_dim3A_92 : vector<1x128xf32> to vector<2000x128xf32>
    %eq3A_94 = arith.constant 7 : i32
    %eq3A_95 = vector.broadcast %eq3A_94 : i32 to vector<2000x128xi32>
    %eq3A_96 = arith.cmpi eq, %broadcast_in_dim3A_8, %eq3A_95 : vector<2000x128xi32>
    %jit3A_97 = arith.constant 0.000000e+00 : f32
    %broadcast_in_dim3A_98 = vector.broadcast %jit3A_97 : f32 to vector<2000x128xf32>
    %select_n3A_99 = arith.select %eq3A_96, %broadcast_in_dim3A_93, %broadcast_in_dim3A_98 : vector<2000x128xi1>, vector<2000x128xf32>
    %add3A_100 = arith.addf %add3A_88, %select_n3A_99 : vector<2000x128xf32>
    %slice3A_101 = vector.extract_strided_slice %get3A_6 {offsets = [8, 0], sizes = [1, 128], strides = [1, 1]} : vector<32x128xf32> to vector<1x128xf32>
    %squeeze3A_102 = vector.shape_cast %slice3A_101 : vector<1x128xf32> to vector<128xf32>
    %broadcast_in_dim3A_103 = vector.shape_cast %squeeze3A_102 : vector<128xf32> to vector<1x128xf32>
    %broadcast_in_dim3A_104 = vector.shape_cast %broadcast_in_dim3A_103 : vector<1x128xf32> to vector<1x128xf32>
    %broadcast_in_dim3A_105 = vector.broadcast %broadcast_in_dim3A_104 : vector<1x128xf32> to vector<2000x128xf32>
    %eq3A_106 = arith.constant 8 : i32
    %eq3A_107 = vector.broadcast %eq3A_106 : i32 to vector<2000x128xi32>
    %eq3A_108 = arith.cmpi eq, %broadcast_in_dim3A_8, %eq3A_107 : vector<2000x128xi32>
    %jit3A_109 = arith.constant 0.000000e+00 : f32
    %broadcast_in_dim3A_110 = vector.broadcast %jit3A_109 : f32 to vector<2000x128xf32>
    %select_n3A_111 = arith.select %eq3A_108, %broadcast_in_dim3A_105, %broadcast_in_dim3A_110 : vector<2000x128xi1>, vector<2000x128xf32>
    %add3A_112 = arith.addf %add3A_100, %select_n3A_111 : vector<2000x128xf32>
    %slice3A_113 = vector.extract_strided_slice %get3A_6 {offsets = [9, 0], sizes = [1, 128], strides = [1, 1]} : vector<32x128xf32> to vector<1x128xf32>
    %squeeze3A_114 = vector.shape_cast %slice3A_113 : vector<1x128xf32> to vector<128xf32>
    %broadcast_in_dim3A_115 = vector.shape_cast %squeeze3A_114 : vector<128xf32> to vector<1x128xf32>
    %broadcast_in_dim3A_116 = vector.shape_cast %broadcast_in_dim3A_115 : vector<1x128xf32> to vector<1x128xf32>
    %broadcast_in_dim3A_117 = vector.broadcast %broadcast_in_dim3A_116 : vector<1x128xf32> to vector<2000x128xf32>
    %eq3A_118 = arith.constant 9 : i32
    %eq3A_119 = vector.broadcast %eq3A_118 : i32 to vector<2000x128xi32>
    %eq3A_120 = arith.cmpi eq, %broadcast_in_dim3A_8, %eq3A_119 : vector<2000x128xi32>
    %jit3A_121 = arith.constant 0.000000e+00 : f32
    %broadcast_in_dim3A_122 = vector.broadcast %jit3A_121 : f32 to vector<2000x128xf32>
    %select_n3A_123 = arith.select %eq3A_120, %broadcast_in_dim3A_117, %broadcast_in_dim3A_122 : vector<2000x128xi1>, vector<2000x128xf32>
    %add3A_124 = arith.addf %add3A_112, %select_n3A_123 : vector<2000x128xf32>
    %slice3A_125 = vector.extract_strided_slice %get3A_6 {offsets = [10, 0], sizes = [1, 128], strides = [1, 1]} : vector<32x128xf32> to vector<1x128xf32>
    %squeeze3A_126 = vector.shape_cast %slice3A_125 : vector<1x128xf32> to vector<128xf32>
    %broadcast_in_dim3A_127 = vector.shape_cast %squeeze3A_126 : vector<128xf32> to vector<1x128xf32>
    %broadcast_in_dim3A_128 = vector.shape_cast %broadcast_in_dim3A_127 : vector<1x128xf32> to vector<1x128xf32>
    %broadcast_in_dim3A_129 = vector.broadcast %broadcast_in_dim3A_128 : vector<1x128xf32> to vector<2000x128xf32>
    %eq3A_130 = arith.constant 10 : i32
    %eq3A_131 = vector.broadcast %eq3A_130 : i32 to vector<2000x128xi32>
    %eq3A_132 = arith.cmpi eq, %broadcast_in_dim3A_8, %eq3A_131 : vector<2000x128xi32>
    %jit3A_133 = arith.constant 0.000000e+00 : f32
    %broadcast_in_dim3A_134 = vector.broadcast %jit3A_133 : f32 to vector<2000x128xf32>
    %select_n3A_135 = arith.select %eq3A_132, %broadcast_in_dim3A_129, %broadcast_in_dim3A_134 : vector<2000x128xi1>, vector<2000x128xf32>
    %add3A_136 = arith.addf %add3A_124, %select_n3A_135 : vector<2000x128xf32>
    %slice3A_137 = vector.extract_strided_slice %get3A_6 {offsets = [11, 0], sizes = [1, 128], strides = [1, 1]} : vector<32x128xf32> to vector<1x128xf32>
    %squeeze3A_138 = vector.shape_cast %slice3A_137 : vector<1x128xf32> to vector<128xf32>
    %broadcast_in_dim3A_139 = vector.shape_cast %squeeze3A_138 : vector<128xf32> to vector<1x128xf32>
    %broadcast_in_dim3A_140 = vector.shape_cast %broadcast_in_dim3A_139 : vector<1x128xf32> to vector<1x128xf32>
    %broadcast_in_dim3A_141 = vector.broadcast %broadcast_in_dim3A_140 : vector<1x128xf32> to vector<2000x128xf32>
    %eq3A_142 = arith.constant 11 : i32
    %eq3A_143 = vector.broadcast %eq3A_142 : i32 to vector<2000x128xi32>
    %eq3A_144 = arith.cmpi eq, %broadcast_in_dim3A_8, %eq3A_143 : vector<2000x128xi32>
    %jit3A_145 = arith.constant 0.000000e+00 : f32
    %broadcast_in_dim3A_146 = vector.broadcast %jit3A_145 : f32 to vector<2000x128xf32>
    %select_n3A_147 = arith.select %eq3A_144, %broadcast_in_dim3A_141, %broadcast_in_dim3A_146 : vector<2000x128xi1>, vector<2000x128xf32>
    %add3A_148 = arith.addf %add3A_136, %select_n3A_147 : vector<2000x128xf32>
    %slice3A_149 = vector.extract_strided_slice %get3A_6 {offsets = [12, 0], sizes = [1, 128], strides = [1, 1]} : vector<32x128xf32> to vector<1x128xf32>
    %squeeze3A_150 = vector.shape_cast %slice3A_149 : vector<1x128xf32> to vector<128xf32>
    %broadcast_in_dim3A_151 = vector.shape_cast %squeeze3A_150 : vector<128xf32> to vector<1x128xf32>
    %broadcast_in_dim3A_152 = vector.shape_cast %broadcast_in_dim3A_151 : vector<1x128xf32> to vector<1x128xf32>
    %broadcast_in_dim3A_153 = vector.broadcast %broadcast_in_dim3A_152 : vector<1x128xf32> to vector<2000x128xf32>
    %eq3A_154 = arith.constant 12 : i32
    %eq3A_155 = vector.broadcast %eq3A_154 : i32 to vector<2000x128xi32>
    %eq3A_156 = arith.cmpi eq, %broadcast_in_dim3A_8, %eq3A_155 : vector<2000x128xi32>
    %jit3A_157 = arith.constant 0.000000e+00 : f32
    %broadcast_in_dim3A_158 = vector.broadcast %jit3A_157 : f32 to vector<2000x128xf32>
    %select_n3A_159 = arith.select %eq3A_156, %broadcast_in_dim3A_153, %broadcast_in_dim3A_158 : vector<2000x128xi1>, vector<2000x128xf32>
    %add3A_160 = arith.addf %add3A_148, %select_n3A_159 : vector<2000x128xf32>
    %slice3A_161 = vector.extract_strided_slice %get3A_6 {offsets = [13, 0], sizes = [1, 128], strides = [1, 1]} : vector<32x128xf32> to vector<1x128xf32>
    %squeeze3A_162 = vector.shape_cast %slice3A_161 : vector<1x128xf32> to vector<128xf32>
    %broadcast_in_dim3A_163 = vector.shape_cast %squeeze3A_162 : vector<128xf32> to vector<1x128xf32>
    %broadcast_in_dim3A_164 = vector.shape_cast %broadcast_in_dim3A_163 : vector<1x128xf32> to vector<1x128xf32>
    %broadcast_in_dim3A_165 = vector.broadcast %broadcast_in_dim3A_164 : vector<1x128xf32> to vector<2000x128xf32>
    %eq3A_166 = arith.constant 13 : i32
    %eq3A_167 = vector.broadcast %eq3A_166 : i32 to vector<2000x128xi32>
    %eq3A_168 = arith.cmpi eq, %broadcast_in_dim3A_8, %eq3A_167 : vector<2000x128xi32>
    %jit3A_169 = arith.constant 0.000000e+00 : f32
    %broadcast_in_dim3A_170 = vector.broadcast %jit3A_169 : f32 to vector<2000x128xf32>
    %select_n3A_171 = arith.select %eq3A_168, %broadcast_in_dim3A_165, %broadcast_in_dim3A_170 : vector<2000x128xi1>, vector<2000x128xf32>
    %add3A_172 = arith.addf %add3A_160, %select_n3A_171 : vector<2000x128xf32>
    %slice3A_173 = vector.extract_strided_slice %get3A_6 {offsets = [14, 0], sizes = [1, 128], strides = [1, 1]} : vector<32x128xf32> to vector<1x128xf32>
    %squeeze3A_174 = vector.shape_cast %slice3A_173 : vector<1x128xf32> to vector<128xf32>
    %broadcast_in_dim3A_175 = vector.shape_cast %squeeze3A_174 : vector<128xf32> to vector<1x128xf32>
    %broadcast_in_dim3A_176 = vector.shape_cast %broadcast_in_dim3A_175 : vector<1x128xf32> to vector<1x128xf32>
    %broadcast_in_dim3A_177 = vector.broadcast %broadcast_in_dim3A_176 : vector<1x128xf32> to vector<2000x128xf32>
    %eq3A_178 = arith.constant 14 : i32
    %eq3A_179 = vector.broadcast %eq3A_178 : i32 to vector<2000x128xi32>
    %eq3A_180 = arith.cmpi eq, %broadcast_in_dim3A_8, %eq3A_179 : vector<2000x128xi32>
    %jit3A_181 = arith.constant 0.000000e+00 : f32
    %broadcast_in_dim3A_182 = vector.broadcast %jit3A_181 : f32 to vector<2000x128xf32>
    %select_n3A_183 = arith.select %eq3A_180, %broadcast_in_dim3A_177, %broadcast_in_dim3A_182 : vector<2000x128xi1>, vector<2000x128xf32>
    %add3A_184 = arith.addf %add3A_172, %select_n3A_183 : vector<2000x128xf32>
    %slice3A_185 = vector.extract_strided_slice %get3A_6 {offsets = [15, 0], sizes = [1, 128], strides = [1, 1]} : vector<32x128xf32> to vector<1x128xf32>
    %squeeze3A_186 = vector.shape_cast %slice3A_185 : vector<1x128xf32> to vector<128xf32>
    %broadcast_in_dim3A_187 = vector.shape_cast %squeeze3A_186 : vector<128xf32> to vector<1x128xf32>
    %broadcast_in_dim3A_188 = vector.shape_cast %broadcast_in_dim3A_187 : vector<1x128xf32> to vector<1x128xf32>
    %broadcast_in_dim3A_189 = vector.broadcast %broadcast_in_dim3A_188 : vector<1x128xf32> to vector<2000x128xf32>
    %eq3A_190 = arith.constant 15 : i32
    %eq3A_191 = vector.broadcast %eq3A_190 : i32 to vector<2000x128xi32>
    %eq3A_192 = arith.cmpi eq, %broadcast_in_dim3A_8, %eq3A_191 : vector<2000x128xi32>
    %jit3A_193 = arith.constant 0.000000e+00 : f32
    %broadcast_in_dim3A_194 = vector.broadcast %jit3A_193 : f32 to vector<2000x128xf32>
    %select_n3A_195 = arith.select %eq3A_192, %broadcast_in_dim3A_189, %broadcast_in_dim3A_194 : vector<2000x128xi1>, vector<2000x128xf32>
    %add3A_196 = arith.addf %add3A_184, %select_n3A_195 : vector<2000x128xf32>
    %slice3A_197 = vector.extract_strided_slice %get3A_6 {offsets = [16, 0], sizes = [1, 128], strides = [1, 1]} : vector<32x128xf32> to vector<1x128xf32>
    %squeeze3A_198 = vector.shape_cast %slice3A_197 : vector<1x128xf32> to vector<128xf32>
    %broadcast_in_dim3A_199 = vector.shape_cast %squeeze3A_198 : vector<128xf32> to vector<1x128xf32>
    %broadcast_in_dim3A_200 = vector.shape_cast %broadcast_in_dim3A_199 : vector<1x128xf32> to vector<1x128xf32>
    %broadcast_in_dim3A_201 = vector.broadcast %broadcast_in_dim3A_200 : vector<1x128xf32> to vector<2000x128xf32>
    %eq3A_202 = arith.constant 16 : i32
    %eq3A_203 = vector.broadcast %eq3A_202 : i32 to vector<2000x128xi32>
    %eq3A_204 = arith.cmpi eq, %broadcast_in_dim3A_8, %eq3A_203 : vector<2000x128xi32>
    %jit3A_205 = arith.constant 0.000000e+00 : f32
    %broadcast_in_dim3A_206 = vector.broadcast %jit3A_205 : f32 to vector<2000x128xf32>
    %select_n3A_207 = arith.select %eq3A_204, %broadcast_in_dim3A_201, %broadcast_in_dim3A_206 : vector<2000x128xi1>, vector<2000x128xf32>
    %add3A_208 = arith.addf %add3A_196, %select_n3A_207 : vector<2000x128xf32>
    %slice3A_209 = vector.extract_strided_slice %get3A_6 {offsets = [17, 0], sizes = [1, 128], strides = [1, 1]} : vector<32x128xf32> to vector<1x128xf32>
    %squeeze3A_210 = vector.shape_cast %slice3A_209 : vector<1x128xf32> to vector<128xf32>
    %broadcast_in_dim3A_211 = vector.shape_cast %squeeze3A_210 : vector<128xf32> to vector<1x128xf32>
    %broadcast_in_dim3A_212 = vector.shape_cast %broadcast_in_dim3A_211 : vector<1x128xf32> to vector<1x128xf32>
    %broadcast_in_dim3A_213 = vector.broadcast %broadcast_in_dim3A_212 : vector<1x128xf32> to vector<2000x128xf32>
    %eq3A_214 = arith.constant 17 : i32
    %eq3A_215 = vector.broadcast %eq3A_214 : i32 to vector<2000x128xi32>
    %eq3A_216 = arith.cmpi eq, %broadcast_in_dim3A_8, %eq3A_215 : vector<2000x128xi32>
    %jit3A_217 = arith.constant 0.000000e+00 : f32
    %broadcast_in_dim3A_218 = vector.broadcast %jit3A_217 : f32 to vector<2000x128xf32>
    %select_n3A_219 = arith.select %eq3A_216, %broadcast_in_dim3A_213, %broadcast_in_dim3A_218 : vector<2000x128xi1>, vector<2000x128xf32>
    %add3A_220 = arith.addf %add3A_208, %select_n3A_219 : vector<2000x128xf32>
    %slice3A_221 = vector.extract_strided_slice %get3A_6 {offsets = [18, 0], sizes = [1, 128], strides = [1, 1]} : vector<32x128xf32> to vector<1x128xf32>
    %squeeze3A_222 = vector.shape_cast %slice3A_221 : vector<1x128xf32> to vector<128xf32>
    %broadcast_in_dim3A_223 = vector.shape_cast %squeeze3A_222 : vector<128xf32> to vector<1x128xf32>
    %broadcast_in_dim3A_224 = vector.shape_cast %broadcast_in_dim3A_223 : vector<1x128xf32> to vector<1x128xf32>
    %broadcast_in_dim3A_225 = vector.broadcast %broadcast_in_dim3A_224 : vector<1x128xf32> to vector<2000x128xf32>
    %eq3A_226 = arith.constant 18 : i32
    %eq3A_227 = vector.broadcast %eq3A_226 : i32 to vector<2000x128xi32>
    %eq3A_228 = arith.cmpi eq, %broadcast_in_dim3A_8, %eq3A_227 : vector<2000x128xi32>
    %jit3A_229 = arith.constant 0.000000e+00 : f32
    %broadcast_in_dim3A_230 = vector.broadcast %jit3A_229 : f32 to vector<2000x128xf32>
    %select_n3A_231 = arith.select %eq3A_228, %broadcast_in_dim3A_225, %broadcast_in_dim3A_230 : vector<2000x128xi1>, vector<2000x128xf32>
    %add3A_232 = arith.addf %add3A_220, %select_n3A_231 : vector<2000x128xf32>
    %slice3A_233 = vector.extract_strided_slice %get3A_6 {offsets = [19, 0], sizes = [1, 128], strides = [1, 1]} : vector<32x128xf32> to vector<1x128xf32>
    %squeeze3A_234 = vector.shape_cast %slice3A_233 : vector<1x128xf32> to vector<128xf32>
    %broadcast_in_dim3A_235 = vector.shape_cast %squeeze3A_234 : vector<128xf32> to vector<1x128xf32>
    %broadcast_in_dim3A_236 = vector.shape_cast %broadcast_in_dim3A_235 : vector<1x128xf32> to vector<1x128xf32>
    %broadcast_in_dim3A_237 = vector.broadcast %broadcast_in_dim3A_236 : vector<1x128xf32> to vector<2000x128xf32>
    %eq3A_238 = arith.constant 19 : i32
    %eq3A_239 = vector.broadcast %eq3A_238 : i32 to vector<2000x128xi32>
    %eq3A_240 = arith.cmpi eq, %broadcast_in_dim3A_8, %eq3A_239 : vector<2000x128xi32>
    %jit3A_241 = arith.constant 0.000000e+00 : f32
    %broadcast_in_dim3A_242 = vector.broadcast %jit3A_241 : f32 to vector<2000x128xf32>
    %select_n3A_243 = arith.select %eq3A_240, %broadcast_in_dim3A_237, %broadcast_in_dim3A_242 : vector<2000x128xi1>, vector<2000x128xf32>
    %add3A_244 = arith.addf %add3A_232, %select_n3A_243 : vector<2000x128xf32>
    %slice3A_245 = vector.extract_strided_slice %get3A_6 {offsets = [20, 0], sizes = [1, 128], strides = [1, 1]} : vector<32x128xf32> to vector<1x128xf32>
    %squeeze3A_246 = vector.shape_cast %slice3A_245 : vector<1x128xf32> to vector<128xf32>
    %broadcast_in_dim3A_247 = vector.shape_cast %squeeze3A_246 : vector<128xf32> to vector<1x128xf32>
    %broadcast_in_dim3A_248 = vector.shape_cast %broadcast_in_dim3A_247 : vector<1x128xf32> to vector<1x128xf32>
    %broadcast_in_dim3A_249 = vector.broadcast %broadcast_in_dim3A_248 : vector<1x128xf32> to vector<2000x128xf32>
    %eq3A_250 = arith.constant 20 : i32
    %eq3A_251 = vector.broadcast %eq3A_250 : i32 to vector<2000x128xi32>
    %eq3A_252 = arith.cmpi eq, %broadcast_in_dim3A_8, %eq3A_251 : vector<2000x128xi32>
    %jit3A_253 = arith.constant 0.000000e+00 : f32
    %broadcast_in_dim3A_254 = vector.broadcast %jit3A_253 : f32 to vector<2000x128xf32>
    %select_n3A_255 = arith.select %eq3A_252, %broadcast_in_dim3A_249, %broadcast_in_dim3A_254 : vector<2000x128xi1>, vector<2000x128xf32>
    %add3A_256 = arith.addf %add3A_244, %select_n3A_255 : vector<2000x128xf32>
    %swap3A = arith.constant 0 : index
    %swap3A_257 = arith.constant 0 : index
    %swap3A_258 = vector.load %arg3[%swap3A, %swap3A_257] : memref<2000x128xf32, #tpu.memory_space<vmem>>, vector<2000x128xf32>
    tpu.vector_store %arg3[%swap3A, %swap3A_257], %add3A_256 {strides = array<i32>} : memref<2000x128xf32, #tpu.memory_space<vmem>>, vector<2000x128xf32>,
    return
  }
  func.func @transform_0(%arg0: i32) -> (i32, i32, i32) {
    %c0_i32 = arith.constant 0 : i32
    %c0_i32_0 = arith.constant 0 : i32
    %c0_i32_1 = arith.constant 0 : i32
    return %arg0, %c0_i32, %c0_i32_0 : i32, i32, i32
  }
  func.func @transform_1(%arg0: i32) -> (i32, i32) {
    %c0_i32 = arith.constant 0 : i32
    %c0_i32_0 = arith.constant 0 : i32
    %c0_i32_1 = arith.constant 0 : i32
    return %c0_i32, %c0_i32_0 : i32, i32
  }
  func.func @transform_2(%arg0: i32) -> (i32, i32) {
    %c0_i32 = arith.constant 0 : i32
    %c0_i32_0 = arith.constant 0 : i32
    return %arg0, %c0_i32 : i32, i32
  }
}

</mosaic_0001>

<sc_bundles>
// kernel: kernel.4.cloned.1.call-start
scs
__scs_entry_jumppad:
0x0: {  	(pc) =	sbr.rel $0x88, $3  }
0x1: {  	(tag) =	ssettag $0x0;
	lr =	simm.s32 $0x1  }
0x2: {  	[smem:$0x3F9D] =	sst lr;
	_ =	strace $0xD0000000  }
0x3: {  	_ = 	snop  }
0x4: {  	_ = 	snop  }
0x5: {  	_ = 	snop  }
0x6: {  	_ = 	snop  }
0x7: {  	_ = 	snop  }
__scs_overlays_trampoline_lowered:
0x8: {  	[smem:$0x3FAC] =	sst s0  }
0x9: {  	[smem:$0x3FAD] =	sst s1  }
0xa: {  	[smem:$0x3FAE] =	sst s2  }
0xb: {  	[smem:$0x3FAF] =	sst s3  }
0xc: {  	[smem:$0x3FB0] =	sst s4  }
0xd: {  	[smem:$0x3FB1] =	sst s5  }
0xe: {  	[smem:$0x3FB2] =	sst s6  }
0xf: {  	[smem:$0x3FB3] =	sst s7  }
0x10: {  	[smem:$0x3FB4] =	sst s8  }
0x11: {  	[smem:$0x3FB5] =	sst s9;
	s0 =	simm.s32 @!p0 $0x0  }
0x12: {  	s1 =	sld [smem:$0x3F9B];
	s0 =	simm.s32 @p0 $0x1  }
0x13: {  	[smem:$0x3FB6] =	sst s0;
	s0 =	simm.s32 @!p1 $0x0  }
0x14: {  	s2 =	sld [smem:$0x3F9A];
	s0 =	simm.s32 @p1 $0x1  }
0x15: {  	[smem:$0x3FB7] =	sst s0;
	s0 =	simm.s32 @!p2 $0x0  }
0x16: {  	s3 =	sld [smem:$0x3FDB];
	s0 =	simm.s32 @p2 $0x1  }
0x17: {  	s4 =	simm.s32 $0x1BF5;
	[smem:$0x3FB9] =	sst s0  }
0x18: {  	s0 =	sld [smem:$0x3F9C];
	_ =	swait.ge [sflag:s4], $0x0  }
0x19: {  	s7 =	sld [smem:$0x3F9D]  }
0x1a: {  	s8 =	sadd.s32 $0xFFFFE003, lr  }
0x1b: {  	s9 =	sadd.s32 $0xFFFFFEF7, lr;
	s5 =	simm.s32 $0xFFFFFFFF;
	p2 =	slt.u32 s8, $0xFFFFF086  }
0x1c: {  	p1 =	slt.u32 s9, $0xF7A;
	s5 =	simm.s32 @!p2 $0x0  }
0x1d: {  	s5 =	simm.s32 @p1 $0x1;
	p0 =	seq.s32 s7, s2  }
0x1e: {  	s7 =	smul.u32 @!p0 $0xF7A, s2;
	p2 =	seq.s32 @!p0 s5, $0x0  }
0x1f: {  	s9 =	smul.u32 $0xF7A, s1;
	s8 =	simm.s32 @!p0 $0x1BF5;
	p2 =	por !p2, p0  }
0x20: {  	[sflag:s8] =	ssyncset.s32 @!p0 $0xFFFFF086;
	s6 =	sadd.s32 @!p0 s3, s7;
	s7 =	simm.s32 @!p0 $0x108  }
0x21: {  	s3 =	sadd.s32 s3, s9;
	s6 =	sadd.s32 @!p0 $0x88, s6;
	s7 =	simm.s32 @p2 $0x1082  }
0x22: {  	[simem:s7], [sflag:s8] =	dma.local @!p0 [hbm:s6], $0xF7A  }
0x23: {  	s9 =	sor.u32 $0xD0000000, s2;
	s6 =	simm.s32 $0x108;
	_ =	swait.ge @!p0 [sflag:s8], $0x0  }
0x24: {  	s3 =	sadd.s32 $0x88, s3;
	s6 =	simm.s32 @!p1 $0x1082;
	[sflag:s4] =	ssyncset.s32 $0xFFFFF086  }
0x25: {  	[simem:s6], [sflag:s4] =	dma.local [hbm:s3], $0xF7A  }
0x26: {  	[smem:$0x3F9D] =	sst s1;
	(tag) =	ssettag s2;
	_ =	strace s9  }
0x27: {  	s1 =	sld [smem:$0x3FAD]  }
0x28: {  	s2 =	sld [smem:$0x3FAE]  }
0x29: {  	s4 =	sld [smem:$0x3FB0]  }
0x2a: {  	p0 =	seq.s32 s5, $0x0;
	s5 =	sld [smem:$0x3FB1]  }
0x2b: {  	s6 =	sld [smem:$0x3FB2]  }
0x2c: {  	s7 =	sld [smem:$0x3FB3]  }
0x2d: {  	s3 =	simm.s32 $0x108;
	s8 =	sld [smem:$0x3FB4]  }
0x2e: {  	s3 =	simm.s32 @!p0 $0x1082;
	s9 =	sld [smem:$0x3FB5]  }
0x2f: {  	lr =	sadd.s32 s0, s3;
	s0 =	sld [smem:$0x3FAC]  }
0x30: {  	s3 =	sld [smem:$0x3FAF]  }
0x31: {  	[smem:$0x3FB8] =	sst s10  }
0x32: {  	s10 =	sld [smem:$0x3FB6];
	_ =	sdelay $0x3  }
0x33: {  	p0 =	seq.s32 s10, $0x1;
	s10 =	sld [smem:$0x3FB8];
	_ =	sdelay $0x3  }
0x34: {  	[smem:$0x3FB8] =	sst s10  }
0x35: {  	s10 =	sld [smem:$0x3FB7];
	_ =	sdelay $0x3  }
0x36: {  	p1 =	seq.s32 s10, $0x1;
	s10 =	sld [smem:$0x3FB8];
	_ =	sdelay $0x3  }
0x37: {  	[smem:$0x3FB8] =	sst s10  }
0x38: {  	s10 =	sld [smem:$0x3FB9]  }
0x39: {  	_ = 	snop;
	(pc) =	sbr.ind lr, $3  }
0x3a: {  	_ = 	snop  }
0x3b: {  	_ = 	snop  }
0x3c: {  	p2 =	seq.s32 s10, $0x1;
	s10 =	sld [smem:$0x3FB8]  }
0x3d: {  	_ =	shalt  }
0x3e: {  	_ =	shalt  }
0x3f: {  	_ =	shalt  }
0x40: {  	_ =	shalt  }
0x41: {  	_ =	shalt  }
0x42: {  	_ =	shalt  }
0x43: {  	_ =	shalt  }
0x44: {  	_ =	shalt  }
0x45: {  	_ =	shalt  }
0x46: {  	_ =	shalt  }
0x47: {  	_ =	shalt  }
0x48: {  	_ =	shalt  }
0x49: {  	_ =	shalt  }
0x4a: {  	_ =	shalt  }
0x4b: {  	_ =	shalt  }
0x4c: {  	_ =	shalt  }
0x4d: {  	_ =	shalt  }
0x4e: {  	_ =	shalt  }
0x4f: {  	_ =	shalt  }
0x50: {  	_ =	shalt  }
0x51: {  	_ =	shalt  }
0x52: {  	_ =	shalt  }
0x53: {  	_ =	shalt  }
0x54: {  	_ =	shalt  }
0x55: {  	_ =	shalt  }
0x56: {  	_ =	shalt  }
0x57: {  	_ =	shalt  }
0x58: {  	_ =	shalt  }
0x59: {  	_ =	shalt  }
0x5a: {  	_ =	shalt  }
0x5b: {  	_ =	shalt  }
0x5c: {  	_ =	shalt  }
0x5d: {  	_ =	shalt  }
0x5e: {  	_ =	shalt  }
0x5f: {  	_ =	shalt  }
0x60: {  	_ =	shalt  }
0x61: {  	_ =	shalt  }
0x62: {  	_ =	shalt  }
0x63: {  	_ =	shalt  }
0x64: {  	_ =	shalt  }
0x65: {  	_ =	shalt  }
0x66: {  	_ =	shalt  }
0x67: {  	_ =	shalt  }
0x68: {  	_ =	shalt  }
0x69: {  	_ =	shalt  }
0x6a: {  	_ =	shalt  }
0x6b: {  	_ =	shalt  }
0x6c: {  	_ =	shalt  }
0x6d: {  	_ =	shalt  }
0x6e: {  	_ =	shalt  }
0x6f: {  	_ =	shalt  }
0x70: {  	_ =	shalt  }
0x71: {  	_ =	shalt  }
0x72: {  	_ =	shalt  }
0x73: {  	_ =	shalt  }
0x74: {  	_ =	shalt  }
0x75: {  	_ =	shalt  }
0x76: {  	_ =	shalt  }
0x77: {  	_ =	shalt  }
0x78: {  	_ =	shalt  }
0x79: {  	_ =	shalt  }
0x7a: {  	_ =	shalt  }
0x7b: {  	_ =	shalt  }
0x7c: {  	_ =	shalt  }
0x7d: {  	_ =	shalt  }
0x7e: {  	_ =	shalt  }
0x7f: {  	_ =	shalt  }
0x80: {  	_ =	shalt  }
0x81: {  	_ =	shalt  }
0x82: {  	_ =	shalt  }
0x83: {  	_ =	shalt  }
0x84: {  	_ =	shalt  }
0x85: {  	_ =	shalt  }
0x86: {  	_ =	shalt  }
0x87: {  	_ =	shalt  }
.Lfunc_end0:
.L_simem_size_0:
called_computation_lowered:
.L_overlay_start_0:
0x88: {  	s2 =	sld [smem:$0x3FD9]  }
0x89: {  	s3 =	sld [smem:$0x3FFE];
	_ =	sdelay $0x1  }
0x8a: {  	s1 =	srdreg.scid  }
0x8b: {  	s0 =	sand.u32 $0x1, s1  }
0x8c: {  	s15 =	sshll.u32 s0, $0xA;
	s2 =	sadd.s32 s3, s2  }
0x8d: {  	s2 =	sadd.s32 s2, s15  }
0x8e: {  	[smem:$0x3FC4] =	sst s2  }
0x8f: {  	_ = 	snop  }
0x90: {  	s2 =	sld [smem:$0x3FD0];
	_ =	sdelay $0x1  }
0x91: {  	s16 =	sld [smem:$0x3FC8]  }
0x92: {  	s5 =	simm.s32 $0xA;
	s6 =	simm.s32 $0x10;
	s4 =	sld [smem:$0x3FC6]  }
0x93: {  	[smem:s6], [sflag:s5] =	dma.local [hbm:s2], $0x1  }
0x94: {  	_ =	swait.eq [sflag:s5], $0x1  }
0x95: {  	[sflag:s5] =	ssyncset.done $0x0  }
0x96: {  	[sflag:s5] =	ssyncadd.s32 $0xFFFFFFFF  }
0x97: {  	s17 =	sld [smem:$0x11];
	(tm) =	ssettm $0x1  }
0x98: {  	s18 =	sld [smem:$0x3FFB];
	_ =	sdelay $0x3  }
0x99: {  	_ =	strace s18  }
0x9a: {  	s5 =	sld [smem:$0x3FFC];
	_ =	sdelay $0x3  }
0x9b: {  	_ =	strace s5  }
0x9c: {  	s5 =	sld [smem:$0x3FFD];
	_ =	sdelay $0x3  }
0x9d: {  	_ =	strace s5  }
0x9e: {  	_ =	strace $0x8FFFFFFF  }
0x9f: {  	s19 =	sld [smem:$0x3FDB];
	_ =	sdelay $0x1  }
0xa0: {  	s20 =	simm.s32 $_scs_section_size  }
0xa1: {  	s7 =	simm.s32 $_size__tile_overlayer_lowered;
	s8 =	simm.s32 $_tile_overlayer_lowered  }
0xa2: {  	s23 =	simm.s32 $0x1BFF;
	s22 =	sshll.u32 s8, $0x1;
	s5 =	sadd.s32 s20, s19  }
0xa3: {  	s9 =	simm.s32 $0x0;
	s21 =	sshll.u32 s7, $0x1;
	s7 =	sadd.s32 s22, s5  }
0xa4: {  	[timem:s9], [sflag:s23] =	dma.local [hbm:s7], s21  }
0xa5: {  	_ =	swait.ge [sflag:s23], s21  }
0xa6: {  	s6 =	ssub.s32 $0x0, s21;
	[sflag:s23] =	ssyncset.done $0x0  }
0xa7: {  	[sflag:s23] =	ssyncadd.s32 s6;
	_ =	sdelay $0x1  }
0xa8: {  	s24 =	simm.s32 $0x1B8B  }
0xa9: {  	_ =	swait.ge [sflag:s24], $0x1  }
0xaa: {  	[sflag:s24] =	ssyncset.done $0x0  }
0xab: {  	s25 =	simm.s32 $0x1B8E;
	[sflag:s24] =	ssyncadd.s32 $0xFFFFFFFF  }
0xac: {  	s26 =	simm.s32 $execute0_lowered;
	[smem:$0x3FD2] =	sst s25  }
0xad: {  	s6 =	sshll.u32 s26, $0x1;
	_ =	strace $0x80000046;
	[dreg:$0x1] =	wrdreg $0xFFFFFFFF  }
0xae: {  	s28 =	simm.s32 $_size_execute0_lowered;
	s5 =	sadd.s32 s5, s6;
	[dreg:$0x0] =	wrdreg $0x0  }
0xaf: {  	s6 =	sshll.u32 s28, $0x1;
	[dreg:$0x2] =	wrdreg s5  }
0xb0: {  	[dreg:$0x3] =	wrdreg s6  }
0xb1: {  	[dreg:$0x4] =	wrdreg $0xC0  }
0xb2: {  	_ =	task [dreg:s9], $0x5FFFF  }
0xb3: {  	[dreg:$0x1] =	wrdreg $0xFFFFFFFF  }
0xb4: {  	[dreg:$0x0] =	wrdreg $0x60  }
0xb5: {  	[dreg:$0x2] =	wrdreg s16  }
0xb6: {  	[dreg:$0x3] =	wrdreg s4  }
0xb7: {  	[dreg:$0x4] =	wrdreg s17  }
0xb8: {  	[dreg:$0x5] =	wrdreg $0xAF800  }
0xb9: {  	[dreg:$0x6] =	wrdreg $0x9  }
0xba: {  	_ =	task.clear_ibuf [dreg:s9], $0x7FFFF;
	_ =	strace $0x90000046  }
0xbb: {  	s29 =	simm.s32 $0x9;
	_ =	strace $0x80000048  }
0xbc: {  	_ =	swait.ge [sflag:s29], $0x1  }
0xbd: {  	[sflag:s29] =	ssyncadd.s32 $0xFFFFFFFF  }
0xbe: {  	_ =	strace $0x90000048  }
0xbf: {  	_ =	sfence  }
0xc0: {  	s30 =	sld [smem:$0x0];
	_ =	sdelay $0x2  }
0xc1: {  	s31 =	sshll.u32 s1, $0xD;
	s1 =	sshrl.u32 s1, $0x2  }
0xc2: {  	s3 =	sand.u32 $0x4000, s31;
	s1 =	sadd.s32 s1, s30  }
0xc3: {  	s0 =	sor.u32 s3, s0;
	s1 =	sshll.u32 s1, $0x11  }
0xc4: {  	s0 =	sor.u32 s1, s0  }
0xc5: {  	s0 =	sadd.s32 $0x8F2B, s0  }
0xc6: {  	[sflag:s0] =	ssyncadd.remote.s32 $0x1  }
0xc7: {  	_ =	sfence.sel $0xFFFF  }
0xc8: {  	[dreg:$0x0] =	wrdreg $0xFFFFFFFF;
	(pc) =	sbr.abs _section_cstart, $3  }
0xc9: {  	[dreg:$0x1] =	wrdreg $0xFFFFFFFF  }
0xca: {  	_ =	task.clear_ibuf [dreg:s9], $0x2FFFF;
	_ =	strace $0x9FFFFFFF  }
0xcb: {  	(tm) =	ssettm $0x7FFFFFFF  }
tec
execute0_lowered:
.L_overlay_start_1:
0x0: {  	(tag) =	ssettag $0x1  }
0x1: {  	s6 =	rddreg [dreg:$0x0]  }
0x2: {  	s0 =	rddreg [dreg:$0x1]  }
0x3: {  	s1 =	srdreg.scid;
	s2 =	rddreg [dreg:$0x2]  }
0x4: {  	s12 =	stileid.u32;
	s3 =	rddreg [dreg:$0x3];
	s4 =	simm.s32 $0x0  }
0x5: {  	s16 =	simm.s32 $0x1;
	s17 =	simm.s32 $0x6780;
	s18 =	simm.s32 $0x2  }
0x6: {  	s19 =	simm.s32 $0x3;
	s20 =	simm.s32 $0x100;
	s21 =	simm.s32 $0x4  }
0x7: {  	s22 =	simm.s32 $0x10;
	s23 =	simm.s32 $0x2700;
	s24 =	simm.s32 $0xA780  }
0x8: {  	s25 =	simm.s32 $0x5;
	s9 =	sand.u32 $0x1, s1;
	s29 =	smul.u32 $0x271000, s12  }
0x9: {  	s26 =	sshll.u32 s12, $0x1;
	s1 =	rddreg [dreg:$0x4];
	s14 =	smul.u32 $0x4E200, s12  }
0xa: {  	[smem:$0x7FF] =	sst s4;
	p0 =	sne.s32 s12, $0x0;
	s30 =	smul.u32 $0x138800, s9  }
0xb: {  	s5 =	sor.u32 s9, s26;
	s8 =	ssub.s32 $0x2, s9;
	s15 =	smul.u32 $0x27100, s9  }
0xc: {  	_ =	strace $0x80000047;
	s12 =	sshrl.u32 @!p0 s3, $0x3;
	s7 =	smul.u32 $0x2710, s5  }
0xd: {  	s26 =	simm.s32 $0x0;
	s10 =	smul.u32 $0x138800, s5;
	s11 =	sshrl.u32 s8, $0x1  }
0xe: {  	s13 =	smul.u32 $0x27100, s5;
	s31 =	sadd.s32 s14, s2;
	s14 =	simm.s32 $0x80  }
.Ltmp0:
0xf: {  	s8 =	ssub.s32 s8, s11;
	s11 =	sadd.s32 s15, s31;
	(pc) =	sbr.rel .LBB2_1-.Ltmp0, $4  }
0x10: {  	s15 =	simm.s32 $0x2780;
	s28 =	sshrl.u32 s10, $0x3;
	s7 =	sshrl.u32 s7, $0x3  }
0x11: {  	s8 =	smax.u32 s8, $0x1;
	s13 =	sadd.s32 s2, s13;
	s10 =	sadd.s32 s30, s29  }
0x12: {  	s5 =	sadd.s32 s2, s28;
	s6 =	sadd.s32 s6, s7;
	s9 =	sadd.s32 $0x800, s13  }
0x13: {  	s10 =	sadd.s32 $0x8000, s10;
	s13 =	simm.s32 $0x6;
	s7 =	sadd.s32 $0x27000, s5  }
.LBB2_4:
0x14: {  	[tilespmem:s24], [sflag:$0x5] =	stream.indirect.gather [spmem:s3], $0x80, s23, s22, $0xb8;
	[tilespmem:$0xAFA0] =	vst v63  }
0x15: {  	_ =	swait.ge [sflag:s25], $0x800  }
0x16: {  	[sflag:s25] =	ssyncset.done $0x0  }
0x17: {  	s26 =	sadd.s32 $0x1, s26;
	[sflag:s25] =	ssyncadd.s32 $0xFFFFF800  }
0x18: {  	[hbm4b:s7+s4] =	stream.linear.scatter [tilespmem:s24], [sflag:$0x6], $0x800, $0x38;
	[tilespmem:$0xAFA0] =	vst v63  }
0x19: {  	p1 =	sne.s32 s26, s8;
	_ =	swait.ge [sflag:s13], $0x800  }
.Ltmp1:
0x1a: {  	[sflag:s13] =	ssyncset.done $0x0;
	(pc) =	sbr.rel @!p1 .LBB2_5-.Ltmp1, $4  }
0x1b: {  	[sflag:s13] =	ssyncadd.s32 $0xFFFFF800  }
0x1c: {  	_ =	swait.ge [sflag:s21], $0x4000  }
0x1d: {  	[sflag:s21] =	ssyncset.done $0x0  }
0x1e: {  	[sflag:s21] =	ssyncadd.s32 $0xFFFFC000  }
.LBB2_1:
0x1f: {  	s28 =	simm.s32 @!p0 $0x1C06  }
0x20: {  	[spmem:s12], [sflag:s28] =	dma.local @!p0 [hbm:s0], $0x40  }
0x21: {  	s28 =	simm.s32 @!p0 $0x6  }
0x22: {  	_ =	swait.ge @!p0 [sflag:s28], $0x40  }
0x23: {  	[sflag:s28] =	ssyncset.done @!p0 $0x0  }
0x24: {  	[sflag:s28] =	ssyncadd.s32 @!p0 $0xFFFFFFC0  }
0x25: {  	[bflag:$0x0] =	sbarrier.arrive $0xFFFF  }
0x26: {  	[tilespmem:s4], [sflag:$0x6] =	stream.linear.gather [hbm4b:s6+s4], $0x2710, $0x38;
	[tilespmem:$0xAFA0] =	vst v63  }
0x27: {  	_ =	swait.ge [sflag:s13], $0x2710  }
0x28: {  	[sflag:s13] =	ssyncset.done $0x0  }
0x29: {  	[sflag:s13] =	ssyncadd.s32 $0xFFFFD8F0  }
0x2a: {  	[tilespmem:s15], [sflag:$0x1] =	stream.indirect.gather [spmem:s3], $0x80, s4, s14, $0xb8;
	[tilespmem:$0xAFA0] =	vst v63  }
0x2b: {  	_ =	swait.ge [sflag:s16], $0x4000  }
0x2c: {  	[sflag:s16] =	ssyncset.done $0x0  }
0x2d: {  	[sflag:s16] =	ssyncadd.s32 $0xFFFFC000  }
0x2e: {  	[hbm4b:s5+s4] =	stream.linear.scatter [tilespmem:s15], [sflag:$0x3], $0x4000, $0x38;
	[tilespmem:$0xAFA0] =	vst v63  }
0x2f: {  	_ = 	snop  }
0x30: {  	[tilespmem:s17], [sflag:$0x2] =	stream.indirect.gather [spmem:s3], $0x80, s14, s14, $0xb8;
	[tilespmem:$0xAFA0] =	vst v63  }
0x31: {  	_ =	swait.ge [sflag:s18], $0x4000  }
0x32: {  	[sflag:s18] =	ssyncset.done $0x0  }
0x33: {  	[sflag:s18] =	ssyncadd.s32 $0xFFFFC000  }
0x34: {  	[hbm4b:s9+s4] =	stream.linear.scatter [tilespmem:s17], [sflag:$0x4], $0x4000, $0x38;
	[tilespmem:$0xAFA0] =	vst v63  }
0x35: {  	_ =	swait.ge [sflag:s19], $0x4000  }
0x36: {  	s29 =	simm.s32 $0x1800;
	[sflag:s19] =	ssyncset.done $0x0  }
0x37: {  	s30 =	smov.u32 s10;
	s28 =	simm.s32 $0x200;
	[sflag:s19] =	ssyncadd.s32 $0xFFFFC000  }
0x38: {  	[tilespmem:s15], [sflag:$0x1] =	stream.indirect.gather [spmem:s3], $0x80, s20, s14, $0xb8;
	[tilespmem:$0xAFA0] =	vst v63  }
.LBB2_2:
0x39: {  	_ =	swait.ge [sflag:s16], $0x4000  }
0x3a: {  	s31 =	sshrl.u32 s30, $0x3;
	[sflag:s16] =	ssyncset.done $0x0  }
0x3b: {  	s31 =	sadd.s32 s2, s31;
	[sflag:s16] =	ssyncadd.s32 $0xFFFFC000  }
0x3c: {  	[hbm4b:s31+s4] =	stream.linear.scatter [tilespmem:s15], [sflag:$0x3], $0x4000, $0x38;
	[tilespmem:$0xAFA0] =	vst v63  }
0x3d: {  	_ =	swait.ge [sflag:s21], $0x4000  }
0x3e: {  	[sflag:s21] =	ssyncset.done $0x0  }
0x3f: {  	s31 =	sadd.s32 $0xFFFFFF80, s28;
	[sflag:s21] =	ssyncadd.s32 $0xFFFFC000  }
0x40: {  	[tilespmem:s17], [sflag:$0x2] =	stream.indirect.gather [spmem:s3], $0x80, s31, s14, $0xb8;
	[tilespmem:$0xAFA0] =	vst v63  }
0x41: {  	_ =	swait.ge [sflag:s18], $0x4000  }
0x42: {  	p1 =	seq.s32 s29, $0x26800;
	[sflag:s18] =	ssyncset.done $0x0  }
.Ltmp2:
0x43: {  	s31 =	sadd.s32 s29, s11;
	[sflag:s18] =	ssyncadd.s32 $0xFFFFC000;
	(pc) =	sbr.rel @p1 .LBB2_4-.Ltmp2, $4  }
0x44: {  	[hbm4b:s31+s4] =	stream.linear.scatter [tilespmem:s17], [sflag:$0x4], $0x4000, $0x38;
	[tilespmem:$0xAFA0] =	vst v63  }
0x45: {  	_ =	swait.ge [sflag:s19], $0x4000  }
0x46: {  	[sflag:s19] =	ssyncset.done $0x0  }
0x47: {  	[sflag:s19] =	ssyncadd.s32 $0xFFFFC000  }
.Ltmp3:
0x48: {  	(pc) =	sbr.rel .LBB2_2-.Ltmp3, $3  }
0x49: {  	_ =	sdelay $0x1  }
0x4a: {  	[tilespmem:s15], [sflag:$0x1] =	stream.indirect.gather [spmem:s3], $0x80, s28, s14, $0xb8;
	[tilespmem:$0xAFA0] =	vst v63  }
0x4b: {  	s28 =	sadd.s32 $0x100, s28;
	s30 =	sadd.s32 $0x8000, s30;
	s29 =	sadd.s32 $0x1000, s29  }
.LBB2_5:
0x4c: {  	_ =	sfence.sel $0x180000  }
0x4d: {  	[bflag:$0x0] =	sbarrier.arrive $0xFFFF  }
0x4e: {  	_ =	strace $0x90000047  }
0x4f: {  	s0 =	sadd.s32 @!p0 $0x100000, s1;
	[bflag:$0x2] =	sbarrier.arrive $0xFFFF  }
0x50: {  	[sflag:s0] =	ssyncadd.tile.s32 @!p0 $0x1;
	_ =	shalt  }
.Lfunc_end2:
_tile_overlayer_lowered:
.L_overlay_start_2:
0x51: {  	(tag) =	ssettag $0x2  }
0x52: {  	s0 =	rddreg [dreg:$0x0];
	s2 =	stileid.u32  }
0x53: {  	s1 =	rddreg [dreg:$0x1];
	p0 =	sne.s32 s2, $0x0  }
0x54: {  	s3 =	rddreg [dreg:$0x2];
	[bflag:$0x3] =	sbarrier.arrive $0xFFFF;
	s2 =	simm.s32 @!p0 $0x1C06  }
0x55: {  	[timem:s3], [sflag:s2] =	dma.local @!p0 [hbm:s0], s1  }
0x56: {  	s0 =	simm.s32 @!p0 $0x6  }
0x57: {  	_ =	swait.ge @!p0 [sflag:s0], s1  }
0x58: {  	s1 =	ssub.s32 @!p0 $0x0, s1;
	[sflag:s0] =	ssyncset.done @!p0 $0x0  }
0x59: {  	[sflag:s0] =	ssyncadd.s32 @!p0 s1  }
0x5a: {  	[bflag:$0x3] =	sbarrier.arrive $0xFFFF  }
0x5b: {  	_ =	shalt  }

</sc_bundles>
